<compile_context>
chip_gen: v7x
topology: tpu7x:2x2x1
jax: 0.10.2.dev20260603
libtpu: 0.0.44.dev20260713+nightly
codegen_flags: <defaults>
</compile_context>

<pallas_src>
import functools

import jax
import jax.numpy as jnp
from jax import lax
from jax.experimental import pallas as pl
from jax.experimental.pallas import tpu as pltpu
from jax.experimental.pallas import tpu_sc as plsc

N = 10000
H = 128
E = 320000
L = 100000

NC = 2
NS = 16
NW = NC * NS
LANES = 16

C = 128
CE = 64
CW = 160
QTR = CW // 4
NBUF = 4
NP = 10112
RSUB = NP // NS
CL = 26

_f32 = jnp.float32
_i32 = jnp.int32


def _mesh():
    return plsc.VectorSubcoreMesh(core_axis_name="c", subcore_axis_name="s")


def _wid():
    return lax.axis_index("c") * NS + lax.axis_index("s")


def _counts_body(dw_hbm, dr_hbm, outw_hbm, outr_hbm, idx_v, cnt_v):
    wid = _wid()
    ones = jnp.ones((LANES,), _f32)
    zeros = jnp.zeros((LANES,), _f32)

    def one_type(d_hbm, out_hbm):
        def z(i, _):
            cnt_v[pl.ds(i * LANES, LANES)] = zeros
            return 0
        lax.fori_loop(0, NP // LANES, z, 0)
        pltpu.sync_copy(d_hbm.at[wid], idx_v)

        def upd(i, _):
            idx = idx_v[pl.ds(i * LANES, LANES)]
            plsc.addupdate_scatter(cnt_v, [idx], ones)
            return 0
        lax.fori_loop(0, (CW * CE) // LANES, upd, 0)
        pltpu.sync_copy(cnt_v, out_hbm.at[wid])

    one_type(dw_hbm, outw_hbm)
    one_type(dr_hbm, outr_hbm)


@jax.jit
def _sc_counts(dw, dr):
    return pl.kernel(
        _counts_body,
        out_type=[
            jax.ShapeDtypeStruct((NW, NP), _f32),
            jax.ShapeDtypeStruct((NW, NP), _f32),
        ],
        mesh=_mesh(),
        compiler_params=pltpu.CompilerParams(needs_layout_passes=False),
        scratch_types=[
            pltpu.VMEM((CW * CE,), _i32),
            pltpu.VMEM((NP,), _f32),
        ],
    )(dw, dr)


def _agg_body(table_hbm, sidx_hbm, didx_hbm, out_hbm,
              sidx_v, didx_v, rows_v, acc_sh, *sems):
    cid = lax.axis_index("c")
    sid = lax.axis_index("s")
    wid = cid * NS + sid
    gsem = sems[:NBUF]
    ssem = sems[NBUF:]
    zeros = jnp.zeros((LANES,), _f32)

    def z(i, _):
        r = i // (H // LANES)
        k = i % (H // LANES)
        rows_v[0, r, pl.ds(k * LANES, LANES)] = zeros
        return 0
    lax.fori_loop(0, (CE * H) // LANES, z, 0)
    for j in range(RSUB // CE):
        pltpu.sync_copy(rows_v.at[0],
                        acc_sh.at[pl.ds(sid * RSUB + j * CE, CE)])
    rem = RSUB % CE
    if rem:
        pltpu.sync_copy(rows_v.at[0, pl.ds(0, rem)],
                        acc_sh.at[pl.ds(sid * RSUB + (RSUB // CE) * CE, rem)])
    plsc.subcore_barrier()

    for h in range(4):
        pltpu.sync_copy(sidx_hbm.at[wid, h], sidx_v)
        pltpu.sync_copy(didx_hbm.at[wid, h], didx_v)

        def group(j, _):
            c = j * NBUF
            gd = [pltpu.async_copy(table_hbm.at[sidx_v.at[c + b]],
                                   rows_v.at[b], gsem[b])
                  for b in range(NBUF)]
            sd = []
            for b in range(NBUF):
                gd[b].wait()
                sd.append(pltpu.async_copy(
                    rows_v.at[b], acc_sh.at[didx_v.at[c + b]], ssem[b],
                    add=True))
            for b in range(NBUF):
                sd[b].wait()
            return 0
        lax.fori_loop(0, QTR // NBUF, group, 0)
    plsc.subcore_barrier()

    pltpu.sync_copy(acc_sh.at[pl.ds(sid * RSUB, RSUB)],
                    out_hbm.at[cid, pl.ds(sid * RSUB, RSUB)])


@jax.jit
def _sc_agg(table, sidx, didx):
    return pl.kernel(
        _agg_body,
        out_type=jax.ShapeDtypeStruct((NC, NP, H), _f32),
        mesh=_mesh(),
        compiler_params=pltpu.CompilerParams(needs_layout_passes=False),
        scratch_types=[
            pltpu.VMEM((QTR, CE), _i32),
            pltpu.VMEM((QTR, CE), _i32),
            pltpu.VMEM((NBUF, CE, H), _f32),
            pltpu.VMEM_SHARED((NP, H), _f32),
        ] + [pltpu.SemaphoreType.DMA] * (2 * NBUF),
    )(table, sidx, didx)


def _cls_body(ax_hbm, px_hbm, aidx_hbm, pidx_hbm, out_hbm,
              aidx_v, pidx_v, arows_v, prows_v, obuf_v, a0, a1, p0, p1):
    wid = _wid()
    asem = (a0, a1)
    psem = (p0, p1)

    pltpu.sync_copy(aidx_hbm.at[wid], aidx_v)
    pltpu.sync_copy(pidx_hbm.at[wid], pidx_v)

    zeros = jnp.zeros((LANES,), _f32)

    def z(i, _):
        obuf_v[pl.ds(i * LANES, LANES)] = zeros
        return 0
    lax.fori_loop(0, (CL * C) // LANES, z, 0)

    def pair(j, _):
        c0 = 2 * j
        ad = [pltpu.async_copy(ax_hbm.at[aidx_v.at[c0 + b]],
                               arows_v.at[b], asem[b]) for b in range(2)]
        pd = [pltpu.async_copy(px_hbm.at[pidx_v.at[c0 + b]],
                               prows_v.at[b], psem[b]) for b in range(2)]
        for b in range(2):
            c = c0 + b
            ad[b].wait()
            pd[b].wait()

            def row(r, _):
                acc = zeros
                for k in range(H // LANES):
                    a = arows_v[b, r, pl.ds(k * LANES, LANES)]
                    p = prows_v[b, r, pl.ds(k * LANES, LANES)]
                    acc = acc + a * p
                slot = jnp.full((LANES,), c * C + r, _i32)
                plsc.addupdate_scatter(obuf_v, [slot], acc)
                return 0
            lax.fori_loop(0, C, row, 0)
        return 0
    lax.fori_loop(0, CL // 2, pair, 0)
    pltpu.sync_copy(obuf_v, out_hbm.at[wid])


@jax.jit
def _sc_cls(ax, px, aidx, pidx):
    return pl.kernel(
        _cls_body,
        out_type=jax.ShapeDtypeStruct((NW, CL * C), _f32),
        mesh=_mesh(),
        compiler_params=pltpu.CompilerParams(needs_layout_passes=False),
        scratch_types=[
            pltpu.VMEM((CL, C), _i32),
            pltpu.VMEM((CL, C), _i32),
            pltpu.VMEM((2, C, H), _f32),
            pltpu.VMEM((2, C, H), _f32),
            pltpu.VMEM((CL * C,), _f32),
        ] + [pltpu.SemaphoreType.DMA] * 4,
    )(ax, px, aidx, pidx)


def _tc1_body(cntw_ref, px_ref, wnb_ref, wroot_ref, ph1_ref, invw_ref):
    cnt = jnp.sum(cntw_ref[...][:, :N], axis=0)
    ind = (cnt > 0.0).astype(_f32)
    colsum = jnp.sum(wnb_ref[...], axis=0)
    ph1 = ind[:, None] * colsum[None, :] + jnp.dot(
        px_ref[...], wroot_ref[...], preferred_element_type=_f32)
    ph1_ref[...] = jnp.maximum(ph1, 0.0)
    invw_ref[...] = (1.0 / jnp.maximum(cnt, 1.0))[:, None]


@jax.jit
def _tc1(cntw, px, wnb, wroot):
    return pl.pallas_call(
        _tc1_body,
        out_shape=[
            jax.ShapeDtypeStruct((N, H), _f32),
            jax.ShapeDtypeStruct((N, 1), _f32),
        ],
    )(cntw, px, wnb, wroot)


def _tc2_body(aggr_ref, cntr_ref, wnb_ref, wroot_ref, ah1_ref, invr_ref):
    cnt = jnp.sum(cntr_ref[...][:, :N], axis=0)
    inv = 1.0 / jnp.maximum(cnt, 1.0)
    a = aggr_ref[...]
    mean = (a[0, :N, :] + a[1, :N, :]) * inv[:, None]
    colsum = jnp.sum(wroot_ref[...], axis=0)
    ah1 = jnp.dot(mean, wnb_ref[...], preferred_element_type=_f32) \
        + colsum[None, :]
    ah1_ref[...] = jnp.maximum(ah1, 0.0)
    invr_ref[...] = inv[:, None]


@jax.jit
def _tc2(aggr, cntr, wnb, wroot):
    return pl.pallas_call(
        _tc2_body,
        out_shape=[
            jax.ShapeDtypeStruct((N, H), _f32),
            jax.ShapeDtypeStruct((N, 1), _f32),
        ],
    )(aggr, cntr, wnb, wroot)


def _tc3_body(agg_ref, inv_ref, h1_ref, wnb_ref, wroot_ref, h2_ref):
    a = agg_ref[...]
    mean = (a[0, :N, :] + a[1, :N, :]) * inv_ref[...]
    h2_ref[...] = jnp.dot(mean, wnb_ref[...], preferred_element_type=_f32) \
        + jnp.dot(h1_ref[...], wroot_ref[...], preferred_element_type=_f32)


@jax.jit
def _tc3(agg, inv, h1, wnb, wroot):
    return pl.pallas_call(
        _tc3_body,
        out_shape=jax.ShapeDtypeStruct((N, H), _f32),
    )(agg, inv, h1, wnb, wroot)


def _pad_edges(x, trash):
    pad = NW * CW * CE - x.shape[0]
    if trash:
        fill = N + (jnp.arange(pad, dtype=_i32) % (NP - N))
    else:
        fill = jnp.arange(pad, dtype=_i32) % N
    return jnp.concatenate([x, fill]).reshape(NW, 4, QTR, CE)


def _pad_labels(x):
    pad = NW * CL * C - x.shape[0]
    fill = jnp.arange(pad, dtype=_i32) % N
    return jnp.concatenate([x, fill]).reshape(NW, CL, C)


def kernel(paper_x, edge_index_writes, edge_index_rev, edge_label_index,
           W1_writes_nb, W1_writes_root, W1_rev_nb, W1_rev_root,
           W2_writes_nb, W2_writes_root, W2_rev_nb, W2_rev_root):
    eiw = edge_index_writes.astype(_i32)
    eir = edge_index_rev.astype(_i32)
    eil = edge_label_index.astype(_i32)
    sw, dw = eiw[0], eiw[1]
    sr, dr = eir[0], eir[1]
    ali, pli = eil[0], eil[1]

    sw_p = _pad_edges(sw, trash=False)
    dw_p = _pad_edges(dw, trash=True)
    sr_p = _pad_edges(sr, trash=False)
    dr_p = _pad_edges(dr, trash=True)

    cntw_part, cntr_part = _sc_counts(dw_p.reshape(NW, -1),
                                      dr_p.reshape(NW, -1))
    aggr1 = _sc_agg(paper_x, sr_p, dr_p)
    ph1, invw = _tc1(cntw_part, paper_x, W1_writes_nb, W1_writes_root)
    ah1, invr = _tc2(aggr1, cntr_part, W1_rev_nb, W1_rev_root)
    aggr2 = _sc_agg(ph1, sr_p, dr_p)
    aggw2 = _sc_agg(ah1, sw_p, dw_p)
    ph2 = _tc3(aggw2, invw, ph1, W2_writes_nb, W2_writes_root)
    ah2 = _tc3(aggr2, invr, ah1, W2_rev_nb, W2_rev_root)

    ali_p = _pad_labels(ali)
    pli_p = _pad_labels(pli)
    out = _sc_cls(ah2, ph2, ali_p, pli_p)
    return out.reshape(-1)[:L]

# --- scband reference (transcript-rebuilt; emitter-appended) ---
"""Pipeline reference for scband-hetero-gcnmodel-23785528885725 (READ-ONLY COPY).

The authoritative reference and input builder live on the scoring server;
editing this copy changes nothing except your own understanding.
"""

import jax, jax.numpy as jnp
import numpy as np

N_AUTHOR = 10000
N_PAPER = 10000
H = 128
E = 320000
L = 100000

W_NAMES = ["W1_writes_nb", "W1_writes_root", "W1_rev_nb", "W1_rev_root",
           "W2_writes_nb", "W2_writes_root", "W2_rev_nb", "W2_rev_root"]


def setup_inputs(seed: int = 0) -> dict:
    key = jax.random.key(seed)
    ks = jax.random.split(key, 12)
    inp = {}
    inp["paper_x"] = jax.random.normal(ks[0], (N_PAPER, H), dtype=jnp.float32)
    inp["edge_index_writes"] = jax.random.randint(ks[1], (2, E), 0, N_AUTHOR, dtype=jnp.int64)
    inp["edge_index_rev"] = jax.random.randint(ks[2], (2, E), 0, N_PAPER, dtype=jnp.int64)
    inp["edge_label_index"] = jax.random.randint(ks[3], (2, L), 0, N_AUTHOR, dtype=jnp.int64)
    for i, name in enumerate(W_NAMES):
        inp[name] = jax.random.normal(ks[4 + i], (H, H), dtype=jnp.float32) * (1.0 / np.sqrt(H))
    return inp


def _sage(x_src, x_dst, ei, W_nb, W_root, n_dst):
    # SAGEConv with mean aggregation: W_nb @ mean_{j in N(i)} x_j + W_root @ x_i
    msg = jnp.take(x_src, ei[0], axis=0)
    agg = jax.ops.segment_sum(msg, ei[1], num_segments=n_dst)
    cnt = jax.ops.segment_sum(jnp.ones((ei.shape[1],), jnp.float32), ei[1], num_segments=n_dst)
    mean = agg / jnp.maximum(cnt, 1.0)[:, None]
    return mean @ W_nb + x_dst @ W_root


def reference(paper_x, edge_index_writes, edge_index_rev, edge_label_index,
              W1_writes_nb, W1_writes_root, W1_rev_nb, W1_rev_root,
              W2_writes_nb, W2_writes_root, W2_rev_nb, W2_rev_root):
    # HeteroGCNModel.forward: author features are all-ones of width hidden_channels
    author_x = jnp.ones((N_AUTHOR, H), dtype=jnp.float32)
    # to_hetero'd 2-layer GNN over edge types ('author','writes','paper') and
    # ('paper','rev_writes','author'); each target node type has exactly one incoming edge type.
    paper_h1 = jax.nn.relu(_sage(author_x, paper_x, edge_index_writes, W1_writes_nb, W1_writes_root, N_PAPER))
    author_h1 = jax.nn.relu(_sage(paper_x, author_x, edge_index_rev, W1_rev_nb, W1_rev_root, N_AUTHOR))
    paper_h2 = _sage(author_h1, paper_h1, edge_index_writes, W2_writes_nb, W2_writes_root, N_PAPER)
    author_h2 = _sage(paper_h1, author_h1, edge_index_rev, W2_rev_nb, W2_rev_root, N_AUTHOR)
    # Classifier: dot product of author/paper embeddings at edge_label_index
    a = jnp.take(author_h2, edge_label_index[0], axis=0)
    p = jnp.take(paper_h2, edge_label_index[1], axis=0)
    return jnp.sum(a * p, axis=-1)

if __name__ == "__main__":
    import jax
    _d = setup_inputs()
    print(jax.jit(kernel)(*tuple(_d.values())))

</pallas_src>

<mosaic_0001>
#map = affine_map<(d0, d1) -> (0, 0)>
module attributes {stable_mosaic.version = 14 : i64} {
  func.func @_counts_body(%arg0: i32, %arg1: i32, %arg2: memref<32x10240xi32, #tpu.memory_space<hbm>>, %arg3: memref<32x10240xi32, #tpu.memory_space<hbm>>, %arg4: memref<32x10112xf32, #tpu.memory_space<hbm>>, %arg5: memref<32x10112xf32, #tpu.memory_space<hbm>>, %arg6: memref<10240xi32, #tpu.memory_space<vmem>>, %arg7: memref<10112xf32, #tpu.memory_space<vmem>>) attributes {dimension_semantics = [#tpu.dimension_semantics<core_parallel>, #tpu.dimension_semantics<subcore_parallel>], iteration_bounds = array<i64: 2, 16>, scalar_prefetch = 0 : i64, scratch_operands = 2 : i64, tpu.core_type = #tpu.core_type<sc_vector_subcore>, window_params = [{transform_indices = #map}, {transform_indices = #map}, {transform_indices = #map}, {transform_indices = #map}]} {
    %mul3A = arith.constant 16 : i32
    %mul3A_0 = arith.muli %arg0, %mul3A : i32
    %add3A = arith.addi %mul3A_0, %arg1 : i32
    %broadcast_in_dim3A = arith.constant 1.000000e+00 : f32
    %broadcast_in_dim3A_1 = vector.broadcast %broadcast_in_dim3A : f32 to vector<16xf32>
    %broadcast_in_dim3A_2 = arith.constant 0.000000e+00 : f32
    %broadcast_in_dim3A_3 = vector.broadcast %broadcast_in_dim3A_2 : f32 to vector<16xf32>
    %scan3A = arith.constant 0 : i32
    %scan3A_4 = arith.constant 0 : i32
    %scan3A_5 = arith.constant 632 : i32
    %scan3A_6 = arith.addi %scan3A_4, %scan3A_5 : i32
    %scan3A_7 = arith.constant 1 : i32
    %scan3A_8 = scf.for %scan3A_31 = %scan3A_4 to %scan3A_6 step %scan3A_7 iter_args(%scan3A_32 = %scan3A) -> (i32)  : i32 {
      %mul3A_33 = arith.constant 16 : i32
      %mul3A_34 = arith.muli %scan3A_31, %mul3A_33 : i32
      %swap3A = arith.index_cast %mul3A_34 : i32 to index
      %swap3A_35 = tpu.vector_load %arg7[%swap3A] {strides = array<i32>} : memref<10112xf32, #tpu.memory_space<vmem>>, vector<16xf32>,
      tpu.vector_store %arg7[%swap3A], %broadcast_in_dim3A_3 {strides = array<i32>} : memref<10112xf32, #tpu.memory_space<vmem>>, vector<16xf32>,
      %scan3A_36 = arith.constant 0 : i32
      scf.yield %scan3A_36 : i32
    }
    %scan3A_9 = arith.constant 632 : i32
    "tpu.region"() ({
      %run_scoped3A = tpu.sem_alloc : memref<!tpu.dma_semaphore, #tpu.memory_space<semaphore_mem>>
      %dma_start3A = arith.constant 0 : i32
      %dma_start3A_31 = tpu.memref_slice %arg2[%add3A, %dma_start3A] : memref<32x10240xi32, #tpu.memory_space<hbm>> -> memref<1x10240xi32, #tpu.memory_space<hbm>>
      %dma_start3A_32 = tpu.memref_squeeze %dma_start3A_31 : memref<1x10240xi32, #tpu.memory_space<hbm>> -> memref<10240xi32, #tpu.memory_space<hbm>>
      %dma_start3A_33 = arith.constant 0 : i32
      %dma_start3A_34 = tpu.memref_slice %arg2[%add3A, %dma_start3A_33] : memref<32x10240xi32, #tpu.memory_space<hbm>> -> memref<1x10240xi32, #tpu.memory_space<hbm>>
      %dma_start3A_35 = tpu.memref_squeeze %dma_start3A_34 : memref<1x10240xi32, #tpu.memory_space<hbm>> -> memref<10240xi32, #tpu.memory_space<hbm>>
      tpu.enqueue_dma source(%dma_start3A_35 : memref<10240xi32, #tpu.memory_space<hbm>>) target(%arg6 : memref<10240xi32, #tpu.memory_space<vmem>>) target_semaphore(%run_scoped3A : memref<!tpu.dma_semaphore, #tpu.memory_space<semaphore_mem>>)
      %dma_wait3A = arith.constant 0 : i32
      %dma_wait3A_36 = tpu.memref_slice %arg2[%add3A, %dma_wait3A] : memref<32x10240xi32, #tpu.memory_space<hbm>> -> memref<1x10240xi32, #tpu.memory_space<hbm>>
      %dma_wait3A_37 = tpu.memref_squeeze %dma_wait3A_36 : memref<1x10240xi32, #tpu.memory_space<hbm>> -> memref<10240xi32, #tpu.memory_space<hbm>>
      %dma_wait3A_38 = arith.constant 0 : i32
      %dma_wait3A_39 = tpu.memref_slice %arg2[%add3A, %dma_wait3A_38] : memref<32x10240xi32, #tpu.memory_space<hbm>> -> memref<1x10240xi32, #tpu.memory_space<hbm>>
      %dma_wait3A_40 = tpu.memref_squeeze %dma_wait3A_39 : memref<1x10240xi32, #tpu.memory_space<hbm>> -> memref<10240xi32, #tpu.memory_space<hbm>>
      tpu.wait_dma2 semaphore(%run_scoped3A : memref<!tpu.dma_semaphore, #tpu.memory_space<semaphore_mem>>) src(%dma_wait3A_40 : memref<10240xi32, #tpu.memory_space<hbm>>) dst(%arg6 : memref<10240xi32, #tpu.memory_space<vmem>>)
      tpu.yield
    }) : () -> ()
    %scan3A_10 = arith.constant 0 : i32
    %scan3A_11 = arith.constant 0 : i32
    %scan3A_12 = arith.constant 640 : i32
    %scan3A_13 = arith.addi %scan3A_11, %scan3A_12 : i32
    %scan3A_14 = arith.constant 1 : i32
    %scan3A_15 = scf.for %scan3A_31 = %scan3A_11 to %scan3A_13 step %scan3A_14 iter_args(%scan3A_32 = %scan3A_10) -> (i32)  : i32 {
      %mul3A_33 = arith.constant 16 : i32
      %mul3A_34 = arith.muli %scan3A_31, %mul3A_33 : i32
      %get3A = arith.index_cast %mul3A_34 : i32 to index
      %get3A_35 = tpu.vector_load %arg6[%get3A] {strides = array<i32>} : memref<10240xi32, #tpu.memory_space<vmem>>, vector<16xi32>,
      tpu.vector_store_idx %arg7[%get3A_35], %broadcast_in_dim3A_1 {add = true} : memref<10112xf32, #tpu.memory_space<vmem>>[vector<16xi32>], vector<16xf32>,
      %scan3A_36 = arith.constant 0 : i32
      scf.yield %scan3A_36 : i32
    }
    %scan3A_16 = arith.constant 640 : i32
    "tpu.region"() ({
      %run_scoped3A = tpu.sem_alloc : memref<!tpu.dma_semaphore, #tpu.memory_space<semaphore_mem>>
      %dma_start3A = arith.constant 0 : i32
      %dma_start3A_31 = tpu.memref_slice %arg4[%add3A, %dma_start3A] : memref<32x10112xf32, #tpu.memory_space<hbm>> -> memref<1x10112xf32, #tpu.memory_space<hbm>>
      %dma_start3A_32 = tpu.memref_squeeze %dma_start3A_31 : memref<1x10112xf32, #tpu.memory_space<hbm>> -> memref<10112xf32, #tpu.memory_space<hbm>>
      %dma_start3A_33 = arith.constant 0 : i32
      %dma_start3A_34 = tpu.memref_slice %arg4[%add3A, %dma_start3A_33] : memref<32x10112xf32, #tpu.memory_space<hbm>> -> memref<1x10112xf32, #tpu.memory_space<hbm>>
      %dma_start3A_35 = tpu.memref_squeeze %dma_start3A_34 : memref<1x10112xf32, #tpu.memory_space<hbm>> -> memref<10112xf32, #tpu.memory_space<hbm>>
      tpu.enqueue_dma source(%arg7 : memref<10112xf32, #tpu.memory_space<vmem>>) target(%dma_start3A_35 : memref<10112xf32, #tpu.memory_space<hbm>>) target_semaphore(%run_scoped3A : memref<!tpu.dma_semaphore, #tpu.memory_space<semaphore_mem>>)
      %dma_wait3A = arith.constant 0 : i32
      %dma_wait3A_36 = tpu.memref_slice %arg4[%add3A, %dma_wait3A] : memref<32x10112xf32, #tpu.memory_space<hbm>> -> memref<1x10112xf32, #tpu.memory_space<hbm>>
      %dma_wait3A_37 = tpu.memref_squeeze %dma_wait3A_36 : memref<1x10112xf32, #tpu.memory_space<hbm>> -> memref<10112xf32, #tpu.memory_space<hbm>>
      %dma_wait3A_38 = arith.constant 0 : i32
      %dma_wait3A_39 = tpu.memref_slice %arg4[%add3A, %dma_wait3A_38] : memref<32x10112xf32, #tpu.memory_space<hbm>> -> memref<1x10112xf32, #tpu.memory_space<hbm>>
      %dma_wait3A_40 = tpu.memref_squeeze %dma_wait3A_39 : memref<1x10112xf32, #tpu.memory_space<hbm>> -> memref<10112xf32, #tpu.memory_space<hbm>>
      tpu.wait_dma2 semaphore(%run_scoped3A : memref<!tpu.dma_semaphore, #tpu.memory_space<semaphore_mem>>) src(%arg7 : memref<10112xf32, #tpu.memory_space<vmem>>) dst(%dma_wait3A_40 : memref<10112xf32, #tpu.memory_space<hbm>>)
      tpu.yield
    }) : () -> ()
    %scan3A_17 = arith.constant 0 : i32
    %scan3A_18 = arith.constant 0 : i32
    %scan3A_19 = arith.constant 632 : i32
    %scan3A_20 = arith.addi %scan3A_18, %scan3A_19 : i32
    %scan3A_21 = arith.constant 1 : i32
    %scan3A_22 = scf.for %scan3A_31 = %scan3A_18 to %scan3A_20 step %scan3A_21 iter_args(%scan3A_32 = %scan3A_17) -> (i32)  : i32 {
      %mul3A_33 = arith.constant 16 : i32
      %mul3A_34 = arith.muli %scan3A_31, %mul3A_33 : i32
      %swap3A = arith.index_cast %mul3A_34 : i32 to index
      %swap3A_35 = tpu.vector_load %arg7[%swap3A] {strides = array<i32>} : memref<10112xf32, #tpu.memory_space<vmem>>, vector<16xf32>,
      tpu.vector_store %arg7[%swap3A], %broadcast_in_dim3A_3 {strides = array<i32>} : memref<10112xf32, #tpu.memory_space<vmem>>, vector<16xf32>,
      %scan3A_36 = arith.constant 0 : i32
      scf.yield %scan3A_36 : i32
    }
    %scan3A_23 = arith.constant 632 : i32
    "tpu.region"() ({
      %run_scoped3A = tpu.sem_alloc : memref<!tpu.dma_semaphore, #tpu.memory_space<semaphore_mem>>
      %dma_start3A = arith.constant 0 : i32
      %dma_start3A_31 = tpu.memref_slice %arg3[%add3A, %dma_start3A] : memref<32x10240xi32, #tpu.memory_space<hbm>> -> memref<1x10240xi32, #tpu.memory_space<hbm>>
      %dma_start3A_32 = tpu.memref_squeeze %dma_start3A_31 : memref<1x10240xi32, #tpu.memory_space<hbm>> -> memref<10240xi32, #tpu.memory_space<hbm>>
      %dma_start3A_33 = arith.constant 0 : i32
      %dma_start3A_34 = tpu.memref_slice %arg3[%add3A, %dma_start3A_33] : memref<32x10240xi32, #tpu.memory_space<hbm>> -> memref<1x10240xi32, #tpu.memory_space<hbm>>
      %dma_start3A_35 = tpu.memref_squeeze %dma_start3A_34 : memref<1x10240xi32, #tpu.memory_space<hbm>> -> memref<10240xi32, #tpu.memory_space<hbm>>
      tpu.enqueue_dma source(%dma_start3A_35 : memref<10240xi32, #tpu.memory_space<hbm>>) target(%arg6 : memref<10240xi32, #tpu.memory_space<vmem>>) target_semaphore(%run_scoped3A : memref<!tpu.dma_semaphore, #tpu.memory_space<semaphore_mem>>)
      %dma_wait3A = arith.constant 0 : i32
      %dma_wait3A_36 = tpu.memref_slice %arg3[%add3A, %dma_wait3A] : memref<32x10240xi32, #tpu.memory_space<hbm>> -> memref<1x10240xi32, #tpu.memory_space<hbm>>
      %dma_wait3A_37 = tpu.memref_squeeze %dma_wait3A_36 : memref<1x10240xi32, #tpu.memory_space<hbm>> -> memref<10240xi32, #tpu.memory_space<hbm>>
      %dma_wait3A_38 = arith.constant 0 : i32
      %dma_wait3A_39 = tpu.memref_slice %arg3[%add3A, %dma_wait3A_38] : memref<32x10240xi32, #tpu.memory_space<hbm>> -> memref<1x10240xi32, #tpu.memory_space<hbm>>
      %dma_wait3A_40 = tpu.memref_squeeze %dma_wait3A_39 : memref<1x10240xi32, #tpu.memory_space<hbm>> -> memref<10240xi32, #tpu.memory_space<hbm>>
      tpu.wait_dma2 semaphore(%run_scoped3A : memref<!tpu.dma_semaphore, #tpu.memory_space<semaphore_mem>>) src(%dma_wait3A_40 : memref<10240xi32, #tpu.memory_space<hbm>>) dst(%arg6 : memref<10240xi32, #tpu.memory_space<vmem>>)
      tpu.yield
    }) : () -> ()
    %scan3A_24 = arith.constant 0 : i32
    %scan3A_25 = arith.constant 0 : i32
    %scan3A_26 = arith.constant 640 : i32
    %scan3A_27 = arith.addi %scan3A_25, %scan3A_26 : i32
    %scan3A_28 = arith.constant 1 : i32
    %scan3A_29 = scf.for %scan3A_31 = %scan3A_25 to %scan3A_27 step %scan3A_28 iter_args(%scan3A_32 = %scan3A_24) -> (i32)  : i32 {
      %mul3A_33 = arith.constant 16 : i32
      %mul3A_34 = arith.muli %scan3A_31, %mul3A_33 : i32
      %get3A = arith.index_cast %mul3A_34 : i32 to index
      %get3A_35 = tpu.vector_load %arg6[%get3A] {strides = array<i32>} : memref<10240xi32, #tpu.memory_space<vmem>>, vector<16xi32>,
      tpu.vector_store_idx %arg7[%get3A_35], %broadcast_in_dim3A_1 {add = true} : memref<10112xf32, #tpu.memory_space<vmem>>[vector<16xi32>], vector<16xf32>,
      %scan3A_36 = arith.constant 0 : i32
      scf.yield %scan3A_36 : i32
    }
    %scan3A_30 = arith.constant 640 : i32
    "tpu.region"() ({
      %run_scoped3A = tpu.sem_alloc : memref<!tpu.dma_semaphore, #tpu.memory_space<semaphore_mem>>
      %dma_start3A = arith.constant 0 : i32
      %dma_start3A_31 = tpu.memref_slice %arg5[%add3A, %dma_start3A] : memref<32x10112xf32, #tpu.memory_space<hbm>> -> memref<1x10112xf32, #tpu.memory_space<hbm>>
      %dma_start3A_32 = tpu.memref_squeeze %dma_start3A_31 : memref<1x10112xf32, #tpu.memory_space<hbm>> -> memref<10112xf32, #tpu.memory_space<hbm>>
      %dma_start3A_33 = arith.constant 0 : i32
      %dma_start3A_34 = tpu.memref_slice %arg5[%add3A, %dma_start3A_33] : memref<32x10112xf32, #tpu.memory_space<hbm>> -> memref<1x10112xf32, #tpu.memory_space<hbm>>
      %dma_start3A_35 = tpu.memref_squeeze %dma_start3A_34 : memref<1x10112xf32, #tpu.memory_space<hbm>> -> memref<10112xf32, #tpu.memory_space<hbm>>
      tpu.enqueue_dma source(%arg7 : memref<10112xf32, #tpu.memory_space<vmem>>) target(%dma_start3A_35 : memref<10112xf32, #tpu.memory_space<hbm>>) target_semaphore(%run_scoped3A : memref<!tpu.dma_semaphore, #tpu.memory_space<semaphore_mem>>)
      %dma_wait3A = arith.constant 0 : i32
      %dma_wait3A_36 = tpu.memref_slice %arg5[%add3A, %dma_wait3A] : memref<32x10112xf32, #tpu.memory_space<hbm>> -> memref<1x10112xf32, #tpu.memory_space<hbm>>
      %dma_wait3A_37 = tpu.memref_squeeze %dma_wait3A_36 : memref<1x10112xf32, #tpu.memory_space<hbm>> -> memref<10112xf32, #tpu.memory_space<hbm>>
      %dma_wait3A_38 = arith.constant 0 : i32
      %dma_wait3A_39 = tpu.memref_slice %arg5[%add3A, %dma_wait3A_38] : memref<32x10112xf32, #tpu.memory_space<hbm>> -> memref<1x10112xf32, #tpu.memory_space<hbm>>
      %dma_wait3A_40 = tpu.memref_squeeze %dma_wait3A_39 : memref<1x10112xf32, #tpu.memory_space<hbm>> -> memref<10112xf32, #tpu.memory_space<hbm>>
      tpu.wait_dma2 semaphore(%run_scoped3A : memref<!tpu.dma_semaphore, #tpu.memory_space<semaphore_mem>>) src(%arg7 : memref<10112xf32, #tpu.memory_space<vmem>>) dst(%dma_wait3A_40 : memref<10112xf32, #tpu.memory_space<hbm>>)
      tpu.yield
    }) : () -> ()
    return
  }
}

</mosaic_0001>

<sc_bundles>
// kernel: _sc_counts.3.cloned.1.call-start
scs
__scs_entry_jumppad:
0x0: {  	(pc) =	sbr.rel $0x88, $3  }
0x1: {  	(tag) =	ssettag $0x0;
	lr =	simm.s32 $0x1  }
0x2: {  	[smem:$0x3F9F] =	sst lr;
	_ =	strace $0xD0000000  }
0x3: {  	_ = 	snop  }
0x4: {  	_ = 	snop  }
0x5: {  	_ = 	snop  }
0x6: {  	_ = 	snop  }
0x7: {  	_ = 	snop  }
__scs_overlays_trampoline_lowered:
0x8: {  	[smem:$0x3FAE] =	sst s0  }
0x9: {  	[smem:$0x3FAF] =	sst s1  }
0xa: {  	[smem:$0x3FB0] =	sst s2  }
0xb: {  	[smem:$0x3FB1] =	sst s3  }
0xc: {  	[smem:$0x3FB2] =	sst s4  }
0xd: {  	[smem:$0x3FB3] =	sst s5  }
0xe: {  	[smem:$0x3FB4] =	sst s6  }
0xf: {  	[smem:$0x3FB5] =	sst s7  }
0x10: {  	[smem:$0x3FB6] =	sst s8  }
0x11: {  	[smem:$0x3FB7] =	sst s9;
	s0 =	simm.s32 @!p0 $0x0  }
0x12: {  	s1 =	sld [smem:$0x3F9D];
	s0 =	simm.s32 @p0 $0x1  }
0x13: {  	[smem:$0x3FB8] =	sst s0;
	s0 =	simm.s32 @!p1 $0x0  }
0x14: {  	s2 =	sld [smem:$0x3F9C];
	s0 =	simm.s32 @p1 $0x1  }
0x15: {  	[smem:$0x3FB9] =	sst s0;
	s0 =	simm.s32 @!p2 $0x0  }
0x16: {  	s3 =	sld [smem:$0x3FDB];
	s0 =	simm.s32 @p2 $0x1  }
0x17: {  	s4 =	simm.s32 $0x1BF5;
	[smem:$0x3FBB] =	sst s0  }
0x18: {  	s0 =	sld [smem:$0x3F9E];
	_ =	swait.ge [sflag:s4], $0x0  }
0x19: {  	s7 =	sld [smem:$0x3F9F]  }
0x1a: {  	s8 =	sadd.s32 $0xFFFFE003, lr  }
0x1b: {  	s9 =	sadd.s32 $0xFFFFFEF7, lr;
	s5 =	simm.s32 $0xFFFFFFFF;
	p2 =	slt.u32 s8, $0xFFFFF086  }
0x1c: {  	p1 =	slt.u32 s9, $0xF7A;
	s5 =	simm.s32 @!p2 $0x0  }
0x1d: {  	s5 =	simm.s32 @p1 $0x1;
	p0 =	seq.s32 s7, s2  }
0x1e: {  	s7 =	smul.u32 @!p0 $0xF7A, s2;
	p2 =	seq.s32 @!p0 s5, $0x0  }
0x1f: {  	s9 =	smul.u32 $0xF7A, s1;
	s8 =	simm.s32 @!p0 $0x1BF5;
	p2 =	por !p2, p0  }
0x20: {  	[sflag:s8] =	ssyncset.s32 @!p0 $0xFFFFF086;
	s6 =	sadd.s32 @!p0 s3, s7;
	s7 =	simm.s32 @!p0 $0x108  }
0x21: {  	s3 =	sadd.s32 s3, s9;
	s6 =	sadd.s32 @!p0 $0x88, s6;
	s7 =	simm.s32 @p2 $0x1082  }
0x22: {  	[simem:s7], [sflag:s8] =	dma.local @!p0 [hbm:s6], $0xF7A  }
0x23: {  	s9 =	sor.u32 $0xD0000000, s2;
	s6 =	simm.s32 $0x108;
	_ =	swait.ge @!p0 [sflag:s8], $0x0  }
0x24: {  	s3 =	sadd.s32 $0x88, s3;
	s6 =	simm.s32 @!p1 $0x1082;
	[sflag:s4] =	ssyncset.s32 $0xFFFFF086  }
0x25: {  	[simem:s6], [sflag:s4] =	dma.local [hbm:s3], $0xF7A  }
0x26: {  	[smem:$0x3F9F] =	sst s1;
	(tag) =	ssettag s2;
	_ =	strace s9  }
0x27: {  	s1 =	sld [smem:$0x3FAF]  }
0x28: {  	s2 =	sld [smem:$0x3FB0]  }
0x29: {  	s4 =	sld [smem:$0x3FB2]  }
0x2a: {  	p0 =	seq.s32 s5, $0x0;
	s5 =	sld [smem:$0x3FB3]  }
0x2b: {  	s6 =	sld [smem:$0x3FB4]  }
0x2c: {  	s7 =	sld [smem:$0x3FB5]  }
0x2d: {  	s3 =	simm.s32 $0x108;
	s8 =	sld [smem:$0x3FB6]  }
0x2e: {  	s3 =	simm.s32 @!p0 $0x1082;
	s9 =	sld [smem:$0x3FB7]  }
0x2f: {  	lr =	sadd.s32 s0, s3;
	s0 =	sld [smem:$0x3FAE]  }
0x30: {  	s3 =	sld [smem:$0x3FB1]  }
0x31: {  	[smem:$0x3FBA] =	sst s10  }
0x32: {  	s10 =	sld [smem:$0x3FB8];
	_ =	sdelay $0x3  }
0x33: {  	p0 =	seq.s32 s10, $0x1;
	s10 =	sld [smem:$0x3FBA];
	_ =	sdelay $0x3  }
0x34: {  	[smem:$0x3FBA] =	sst s10  }
0x35: {  	s10 =	sld [smem:$0x3FB9];
	_ =	sdelay $0x3  }
0x36: {  	p1 =	seq.s32 s10, $0x1;
	s10 =	sld [smem:$0x3FBA];
	_ =	sdelay $0x3  }
0x37: {  	[smem:$0x3FBA] =	sst s10  }
0x38: {  	s10 =	sld [smem:$0x3FBB]  }
0x39: {  	_ = 	snop;
	(pc) =	sbr.ind lr, $3  }
0x3a: {  	_ = 	snop  }
0x3b: {  	_ = 	snop  }
0x3c: {  	p2 =	seq.s32 s10, $0x1;
	s10 =	sld [smem:$0x3FBA]  }
0x3d: {  	_ =	shalt  }
0x3e: {  	_ =	shalt  }
0x3f: {  	_ =	shalt  }
0x40: {  	_ =	shalt  }
0x41: {  	_ =	shalt  }
0x42: {  	_ =	shalt  }
0x43: {  	_ =	shalt  }
0x44: {  	_ =	shalt  }
0x45: {  	_ =	shalt  }
0x46: {  	_ =	shalt  }
0x47: {  	_ =	shalt  }
0x48: {  	_ =	shalt  }
0x49: {  	_ =	shalt  }
0x4a: {  	_ =	shalt  }
0x4b: {  	_ =	shalt  }
0x4c: {  	_ =	shalt  }
0x4d: {  	_ =	shalt  }
0x4e: {  	_ =	shalt  }
0x4f: {  	_ =	shalt  }
0x50: {  	_ =	shalt  }
0x51: {  	_ =	shalt  }
0x52: {  	_ =	shalt  }
0x53: {  	_ =	shalt  }
0x54: {  	_ =	shalt  }
0x55: {  	_ =	shalt  }
0x56: {  	_ =	shalt  }
0x57: {  	_ =	shalt  }
0x58: {  	_ =	shalt  }
0x59: {  	_ =	shalt  }
0x5a: {  	_ =	shalt  }
0x5b: {  	_ =	shalt  }
0x5c: {  	_ =	shalt  }
0x5d: {  	_ =	shalt  }
0x5e: {  	_ =	shalt  }
0x5f: {  	_ =	shalt  }
0x60: {  	_ =	shalt  }
0x61: {  	_ =	shalt  }
0x62: {  	_ =	shalt  }
0x63: {  	_ =	shalt  }
0x64: {  	_ =	shalt  }
0x65: {  	_ =	shalt  }
0x66: {  	_ =	shalt  }
0x67: {  	_ =	shalt  }
0x68: {  	_ =	shalt  }
0x69: {  	_ =	shalt  }
0x6a: {  	_ =	shalt  }
0x6b: {  	_ =	shalt  }
0x6c: {  	_ =	shalt  }
0x6d: {  	_ =	shalt  }
0x6e: {  	_ =	shalt  }
0x6f: {  	_ =	shalt  }
0x70: {  	_ =	shalt  }
0x71: {  	_ =	shalt  }
0x72: {  	_ =	shalt  }
0x73: {  	_ =	shalt  }
0x74: {  	_ =	shalt  }
0x75: {  	_ =	shalt  }
0x76: {  	_ =	shalt  }
0x77: {  	_ =	shalt  }
0x78: {  	_ =	shalt  }
0x79: {  	_ =	shalt  }
0x7a: {  	_ =	shalt  }
0x7b: {  	_ =	shalt  }
0x7c: {  	_ =	shalt  }
0x7d: {  	_ =	shalt  }
0x7e: {  	_ =	shalt  }
0x7f: {  	_ =	shalt  }
0x80: {  	_ =	shalt  }
0x81: {  	_ =	shalt  }
0x82: {  	_ =	shalt  }
0x83: {  	_ =	shalt  }
0x84: {  	_ =	shalt  }
0x85: {  	_ =	shalt  }
0x86: {  	_ =	shalt  }
0x87: {  	_ =	shalt  }
.Lfunc_end0:
.L_simem_size_0:
called_computation_lowered:
.L_overlay_start_0:
0x88: {  	s2 =	sld [smem:$0x3FD9]  }
0x89: {  	s3 =	sld [smem:$0x3FFE];
	_ =	sdelay $0x1  }
0x8a: {  	s1 =	srdreg.scid  }
0x8b: {  	s0 =	sand.u32 $0x1, s1  }
0x8c: {  	s15 =	sshll.u32 s0, $0xA;
	s2 =	sadd.s32 s3, s2  }
0x8d: {  	s2 =	sadd.s32 s2, s15  }
0x8e: {  	[smem:$0x3FC6] =	sst s2  }
0x8f: {  	_ = 	snop  }
0x90: {  	s2 =	sld [smem:$0x3FD0];
	_ =	sdelay $0x1  }
0x91: {  	s16 =	sld [smem:$0x3FC9]  }
0x92: {  	s5 =	simm.s32 $0xA;
	s6 =	simm.s32 $0x10;
	s4 =	sld [smem:$0x3FC8]  }
0x93: {  	[smem:s6], [sflag:s5] =	dma.local [hbm:s2], $0x1  }
0x94: {  	_ =	swait.eq [sflag:s5], $0x1  }
0x95: {  	[sflag:s5] =	ssyncset.done $0x0  }
0x96: {  	s17 =	sld [smem:$0x10];
	[sflag:s5] =	ssyncadd.s32 $0xFFFFFFFF  }
0x97: {  	s18 =	sld [smem:$0x11];
	(tm) =	ssettm $0x1  }
0x98: {  	s19 =	sld [smem:$0x3FFB];
	_ =	sdelay $0x3  }
0x99: {  	_ =	strace s19  }
0x9a: {  	s6 =	sld [smem:$0x3FFC];
	_ =	sdelay $0x3  }
0x9b: {  	_ =	strace s6  }
0x9c: {  	s6 =	sld [smem:$0x3FFD];
	_ =	sdelay $0x3  }
0x9d: {  	_ =	strace s6  }
0x9e: {  	_ =	strace $0x8FFFFFFF  }
0x9f: {  	s20 =	sld [smem:$0x3FDB];
	_ =	sdelay $0x1  }
0xa0: {  	s7 =	simm.s32 $_scs_section_size  }
0xa1: {  	s8 =	simm.s32 $_size__tile_overlayer_lowered;
	s9 =	simm.s32 $_tile_overlayer_lowered  }
0xa2: {  	s23 =	simm.s32 $0x1BFF;
	s22 =	sshll.u32 s9, $0x1;
	s6 =	sadd.s32 s7, s20  }
0xa3: {  	s10 =	simm.s32 $0x0;
	s21 =	sshll.u32 s8, $0x1;
	s8 =	sadd.s32 s22, s6  }
0xa4: {  	[timem:s10], [sflag:s23] =	dma.local [hbm:s8], s21  }
0xa5: {  	_ =	swait.ge [sflag:s23], s21  }
0xa6: {  	s7 =	ssub.s32 $0x0, s21;
	[sflag:s23] =	ssyncset.done $0x0  }
0xa7: {  	[sflag:s23] =	ssyncadd.s32 s7;
	_ =	sdelay $0x1  }
0xa8: {  	s24 =	simm.s32 $0x1B8B  }
0xa9: {  	_ =	swait.ge [sflag:s24], $0x1  }
0xaa: {  	[sflag:s24] =	ssyncset.done $0x0  }
0xab: {  	s25 =	simm.s32 $0x1B8E;
	[sflag:s24] =	ssyncadd.s32 $0xFFFFFFFF  }
0xac: {  	s26 =	simm.s32 $execute0_lowered;
	[smem:$0x3FD2] =	sst s25  }
0xad: {  	s7 =	sshll.u32 s26, $0x1;
	_ =	strace $0x80000046;
	[dreg:$0x1] =	wrdreg $0xFFFFFFFF  }
0xae: {  	s28 =	simm.s32 $_size_execute0_lowered;
	s6 =	sadd.s32 s6, s7;
	[dreg:$0x0] =	wrdreg $0x0  }
0xaf: {  	s7 =	sshll.u32 s28, $0x1;
	[dreg:$0x2] =	wrdreg s6  }
0xb0: {  	[dreg:$0x3] =	wrdreg s7  }
0xb1: {  	[dreg:$0x4] =	wrdreg $0xC0  }
0xb2: {  	_ =	task [dreg:s10], $0x5FFFF  }
0xb3: {  	[dreg:$0x1] =	wrdreg $0xFFFFFFFF  }
0xb4: {  	[dreg:$0x0] =	wrdreg $0x60  }
0xb5: {  	[dreg:$0x2] =	wrdreg s16  }
0xb6: {  	[dreg:$0x3] =	wrdreg s4  }
0xb7: {  	[dreg:$0x4] =	wrdreg s17  }
0xb8: {  	[dreg:$0x5] =	wrdreg s18  }
0xb9: {  	[dreg:$0x6] =	wrdreg $0x9  }
0xba: {  	_ =	task.clear_ibuf [dreg:s10], $0x7FFFF;
	_ =	strace $0x90000046  }
0xbb: {  	s29 =	simm.s32 $0x9;
	_ =	strace $0x80000048  }
0xbc: {  	_ =	swait.ge [sflag:s29], $0x1  }
0xbd: {  	[sflag:s29] =	ssyncadd.s32 $0xFFFFFFFF  }
0xbe: {  	_ =	strace $0x90000048  }
0xbf: {  	_ =	sfence  }
0xc0: {  	s30 =	sld [smem:$0x0];
	_ =	sdelay $0x2  }
0xc1: {  	s31 =	sshll.u32 s1, $0xD;
	s1 =	sshrl.u32 s1, $0x2  }
0xc2: {  	s3 =	sand.u32 $0x4000, s31;
	s1 =	sadd.s32 s1, s30  }
0xc3: {  	s0 =	sor.u32 s3, s0;
	s1 =	sshll.u32 s1, $0x11  }
0xc4: {  	s0 =	sor.u32 s1, s0  }
0xc5: {  	s0 =	sadd.s32 $0x8F2B, s0  }
0xc6: {  	[sflag:s0] =	ssyncadd.remote.s32 $0x1  }
0xc7: {  	_ =	sfence.sel $0xFFFF  }
0xc8: {  	[dreg:$0x0] =	wrdreg $0xFFFFFFFF;
	(pc) =	sbr.abs _section_cstart, $3  }
0xc9: {  	[dreg:$0x1] =	wrdreg $0xFFFFFFFF  }
0xca: {  	_ =	task.clear_ibuf [dreg:s10], $0x2FFFF;
	_ =	strace $0x9FFFFFFF  }
0xcb: {  	(tm) =	ssettm $0x7FFFFFFF  }
tec
execute0_lowered:
.L_overlay_start_1:
0x0: {  	(tag) =	ssettag $0x1  }
0x1: {  	s0 =	srdreg.scid;
	s3 =	rddreg [dreg:$0x0]  }
0x2: {  	s5 =	rddreg [dreg:$0x1];
	s4 =	sand.u32 $0x1, s0  }
0x3: {  	s6 =	rddreg [dreg:$0x2];
	s0 =	stileid.u32;
	s1 =	sshll.u32 s4, $0x4  }
0x4: {  	s7 =	rddreg [dreg:$0x3];
	s2 =	simm.s32 $0x0;
	s1 =	sor.u32 s0, s1  }
0x5: {  	[smem:$0x7FF] =	sst s2;
	s10 =	sshll.u32 s0, $0x7;
	s8 =	sshrl.u32 s1, $0x3  }
0x6: {  	s4 =	ssub.s32 $0x2, s4;
	s10 =	sand.u32 $0x380, s10;
	s9 =	smul.u32 $0x14000, s8  }
0x7: {  	s11 =	sshrl.u32 s4, $0x1;
	s1 =	rddreg [dreg:$0x4];
	s8 =	smul.u32 $0x13C00, s8  }
0x8: {  	_ =	strace $0x80000047;
	s31 =	ssub.s32 s4, s11;
	s9 =	sor.u32 s10, s9  }
0x9: {  	s11 =	simm.s32 $0x2800;
	s8 =	sor.u32 s10, s8;
	s9 =	sshrl.u32 s9, $0x3  }
0xa: {  	s10 =	simm.s32 $0x1;
	s8 =	sshrl.u32 s8, $0x3;
	s3 =	sadd.s32 s3, s9  }
0xb: {  	s4 =	sadd.s32 s6, s8;
	s5 =	sadd.s32 s5, s9;
	s6 =	sadd.s32 s7, s8  }
0xc: {  	v0 =	vimm.f32 $0.0e+00;
	v1 =	vimm.f32 $1.000000000e+00;
	s7 =	smax.u32 s31, $0x1;
	s8 =	simm.s32 $0x80;
	s9 =	simm.s32 $0x400  }
.LBB2_1:
0xd: {  	s12 =	simm.s32 $0x40;
	s13 =	simm.s32 $0x0  }
.LBB2_2:
0xe: {  	p0 =	sne.s32 s12, $0x9DC0;
	[tilespmem:s13+$0x2800] =	vst v0;
	s13 =	smov.u32 s12;
	s12 =	sadd.s32 $0x40, s12  }
.Ltmp0:
0xf: {  	(pc) =	sbr.rel @p0 .LBB2_2-.Ltmp0, $2  }
0x10: {  	_ =	sdelay $0x2  }
0x11: {  	s13 =	sshra.s32 s13, $0x2  }
0x12: {  	[tilespmem:s13+$0x2800] =	vst v0;
	s12 =	simm.s32 $0x0  }
0x13: {  	[tilespmem:s12], [sflag:$0x1] =	stream.strided.gather [hbm4b:s3+s8], $0x2800, s9, s8, $0x38;
	[tilespmem:$0x4F80] =	vst v63  }
0x14: {  	_ =	swait.ge [sflag:s10], $0x2800  }
0x15: {  	[sflag:s10] =	ssyncset.done $0x0  }
0x16: {  	s13 =	simm.s32 $0x0;
	s12 =	simm.s32 $0x40;
	[sflag:s10] =	ssyncadd.s32 $0xFFFFD800  }
.LBB2_4:
0x17: {  	p0 =	sne.s32 s12, $0x9FC0;
	v2 =	vld [tilespmem:s13+$0x0];
	_ =	sdelay $0x3  }
.Ltmp1:
0x18: {  	(pc) =	sbr.rel @p0 .LBB2_4-.Ltmp1, $2  }
0x19: {  	_ =	sdelay $0x2  }
0x1a: {  	s13 =	sshra.s32 s12, $0x2;
	s12 =	sadd.s32 $0x40, s12;
	[tilespmem:v2+s11+$0x0] =	vst.idx.add.f32.msk $0xffff, v1  }
0x1b: {  	v2 =	vld [tilespmem:s13+$0x0];
	_ =	sdelay $0x7  }
0x1c: {  	[tilespmem:v2+s11+$0x0] =	vst.idx.add.f32.msk $0xffff, v1  }
0x1d: {  	[hbm4b:s4+s8] =	stream.strided.scatter [tilespmem:s11], [sflag:$0x1], $0x2780, s9, s8, $0x38;
	[tilespmem:$0x4F80] =	vst v63  }
0x1e: {  	_ =	swait.ge [sflag:s10], $0x2780  }
0x1f: {  	[sflag:s10] =	ssyncset.done $0x0  }
0x20: {  	s12 =	simm.s32 $0x40;
	s13 =	simm.s32 $0x0;
	[sflag:s10] =	ssyncadd.s32 $0xFFFFD880  }
.LBB2_6:
0x21: {  	p0 =	sne.s32 s12, $0x9DC0;
	[tilespmem:s13+$0x2800] =	vst v0;
	s13 =	smov.u32 s12;
	s12 =	sadd.s32 $0x40, s12  }
.Ltmp2:
0x22: {  	(pc) =	sbr.rel @p0 .LBB2_6-.Ltmp2, $2  }
0x23: {  	_ =	sdelay $0x2  }
0x24: {  	s13 =	sshra.s32 s13, $0x2  }
0x25: {  	[tilespmem:s13+$0x2800] =	vst v0;
	s12 =	simm.s32 $0x0  }
0x26: {  	[tilespmem:s12], [sflag:$0x1] =	stream.strided.gather [hbm4b:s5+s8], $0x2800, s9, s8, $0x38;
	[tilespmem:$0x4F80] =	vst v63  }
0x27: {  	_ =	swait.ge [sflag:s10], $0x2800  }
0x28: {  	[sflag:s10] =	ssyncset.done $0x0  }
0x29: {  	s13 =	simm.s32 $0x0;
	s12 =	simm.s32 $0x40;
	[sflag:s10] =	ssyncadd.s32 $0xFFFFD800  }
.LBB2_8:
0x2a: {  	p0 =	sne.s32 s12, $0x9FC0;
	v2 =	vld [tilespmem:s13+$0x0];
	_ =	sdelay $0x3  }
.Ltmp3:
0x2b: {  	(pc) =	sbr.rel @p0 .LBB2_8-.Ltmp3, $2  }
0x2c: {  	_ =	sdelay $0x2  }
0x2d: {  	s13 =	sshra.s32 s12, $0x2;
	s12 =	sadd.s32 $0x40, s12;
	[tilespmem:v2+s11+$0x0] =	vst.idx.add.f32.msk $0xffff, v1  }
0x2e: {  	v2 =	vld [tilespmem:s13+$0x0];
	_ =	sdelay $0x5  }
0x2f: {  	s2 =	sadd.s32 $0x1, s2  }
0x30: {  	p0 =	sne.s32 s2, s7  }
.Ltmp4:
0x31: {  	[tilespmem:v2+s11+$0x0] =	vst.idx.add.f32.msk $0xffff, v1;
	(pc) =	sbr.rel @p0 .LBB2_1-.Ltmp4, $4  }
0x32: {  	[hbm4b:s6+s8] =	stream.strided.scatter [tilespmem:s11], [sflag:$0x1], $0x2780, s9, s8, $0x38;
	[tilespmem:$0x4F80] =	vst v63  }
0x33: {  	_ =	swait.ge [sflag:s10], $0x2780  }
0x34: {  	[sflag:s10] =	ssyncset.done $0x0  }
0x35: {  	[sflag:s10] =	ssyncadd.s32 $0xFFFFD880  }
0x36: {  	_ =	sfence.sel $0x180000  }
0x37: {  	[bflag:$0x0] =	sbarrier.arrive $0xFFFF  }
0x38: {  	p0 =	sne.s32 s0, $0x0;
	_ =	strace $0x90000047  }
0x39: {  	s0 =	sadd.s32 @!p0 $0x100000, s1;
	[bflag:$0x2] =	sbarrier.arrive $0xFFFF  }
0x3a: {  	[sflag:s0] =	ssyncadd.tile.s32 @!p0 $0x1;
	_ =	shalt  }
.Lfunc_end2:
_tile_overlayer_lowered:
.L_overlay_start_2:
0x3b: {  	(tag) =	ssettag $0x2  }
0x3c: {  	s0 =	rddreg [dreg:$0x0];
	s2 =	stileid.u32  }
0x3d: {  	s1 =	rddreg [dreg:$0x1];
	p0 =	sne.s32 s2, $0x0  }
0x3e: {  	s3 =	rddreg [dreg:$0x2];
	[bflag:$0x3] =	sbarrier.arrive $0xFFFF;
	s2 =	simm.s32 @!p0 $0x1C01  }
0x3f: {  	[timem:s3], [sflag:s2] =	dma.local @!p0 [hbm:s0], s1  }
0x40: {  	s0 =	simm.s32 @!p0 $0x1  }
0x41: {  	_ =	swait.ge @!p0 [sflag:s0], s1  }
0x42: {  	s1 =	ssub.s32 @!p0 $0x0, s1;
	[sflag:s0] =	ssyncset.done @!p0 $0x0  }
0x43: {  	[sflag:s0] =	ssyncadd.s32 @!p0 s1  }
0x44: {  	[bflag:$0x3] =	sbarrier.arrive $0xFFFF  }
0x45: {  	_ =	shalt  }

</sc_bundles>
